<compile_context>
chip_gen: v7x
topology: tpu7x:2x2x1
jax: 0.10.2.dev20260603
libtpu: 0.0.44.dev20260713+nightly
codegen_flags: <defaults>
</compile_context>

<pallas_src>
import functools

import jax
import jax.numpy as jnp
from jax import lax
from jax.experimental import pallas as pl
from jax.experimental.pallas import tpu as pltpu
from jax.experimental.pallas import tpu_sc as plsc

NC = 2
NS = 16
NW = NC * NS


@functools.lru_cache(maxsize=None)
def _make_gather(batch: int, vocab: int, dim: int, k: int, ring: int):
    bpw = batch // NW
    nchunk = bpw // k
    rounds = nchunk // ring
    rem = nchunk - rounds * ring
    mesh = plsc.VectorSubcoreMesh(
        core_axis_name="c", subcore_axis_name="s",
        num_cores=NC, num_subcores=NS,
    )

    @functools.partial(
        pl.kernel,
        out_type=jax.ShapeDtypeStruct((batch, dim), jnp.float32),
        mesh=mesh,
        compiler_params=pltpu.CompilerParams(use_tc_tiling_on_sc=True),
        scratch_types=[
            pltpu.VMEM((nchunk, k), jnp.int32),
            [pltpu.VMEM((k, dim), jnp.float32)] * ring,
            [pltpu.SemaphoreType.DMA] * ring,
            [pltpu.SemaphoreType.DMA] * ring,
        ],
    )
    def gather_kernel(idx_hbm, table_hbm, out_hbm, idx_v, bufs, gsems, ssems):
        wid = lax.axis_index("s") * NC + lax.axis_index("c")
        base = wid * bpw
        pltpu.sync_copy(idx_hbm.at[wid], idx_v)

        def start_g(j, t):
            pltpu.async_copy(table_hbm.at[idx_v.at[j]], bufs[t], gsems[t])

        def wait_g(t):
            pltpu.make_async_copy(
                table_hbm.at[idx_v.at[0]], bufs[t], gsems[t]).wait()

        def start_s(j, t):
            pltpu.async_copy(
                bufs[t], out_hbm.at[pl.ds(base + j * k, k)], ssems[t])

        def wait_s(t):
            pltpu.make_async_copy(
                bufs[t], out_hbm.at[pl.ds(base, k)], ssems[t]).wait()

        for t in range(ring):
            start_g(t, t)

        @pl.loop(0, rounds)
        def _round(i):
            j = i * ring
            for t in range(ring):
                wait_g(t)
                start_s(j + t, t)
            for t in range(ring):
                @pl.when(j + ring + t < nchunk)
                def _refill():
                    wait_s(t)
                    start_g(j + ring + t, t)

        for t in range(rem):
            wait_g(t)
            start_s(rounds * ring + t, t)
        for t in range(ring):
            wait_s(t)

    return gather_kernel


def kernel(idx, embedding):
    if idx.ndim == 2:
        idx = jnp.squeeze(idx, axis=-1)
    batch = idx.shape[0]
    vocab, dim = embedding.shape
    k, ring = 2, 4
    idx3 = idx.astype(jnp.int32).reshape(NW, (batch // NW) // k, k)
    return _make_gather(batch, vocab, dim, k, ring)(idx3, embedding)

# --- scband reference (transcript-rebuilt; emitter-appended) ---
"""Pipeline reference for scband-neural-bigram-32100585570552 (READ-ONLY COPY).

The authoritative reference and input builder live on the scoring server;
editing this copy changes nothing except your own understanding.
"""

import jax, jax.numpy as jnp
import numpy as np

VOCAB = 8192
BATCH = 4096

def setup_inputs(seed: int = 0) -> dict:
    key = jax.random.key(seed)
    k_idx, k_emb = jax.random.split(key)
    idx = jax.random.randint(k_idx, (BATCH,), 0, VOCAB, dtype=jnp.int64 if jax.config.jax_enable_x64 else jnp.int32)
    embedding = jax.random.normal(k_emb, (VOCAB, VOCAB), dtype=jnp.float32) * 0.02
    return {"idx": idx, "embedding": embedding}

def reference(idx, embedding):
    # NeuralBigram.forward: squeeze trailing dim if 2-D, then embedding lookup
    if idx.ndim == 2:
        idx = jnp.squeeze(idx, axis=-1)
    logits = jnp.take(embedding, idx, axis=0)  # (batch, vocab)
    return logits

if __name__ == "__main__":
    import jax
    _d = setup_inputs()
    print(jax.jit(kernel)(*tuple(_d.values())))

</pallas_src>

<mosaic_0001>
#map = affine_map<(d0, d1) -> (0, 0, 0)>
#map1 = affine_map<(d0, d1) -> (0, 0)>
module attributes {stable_mosaic.version = 14 : i64} {
  func.func @gather_kernel(%arg0: i32, %arg1: i32, %arg2: memref<32x64x2xi32, #tpu.memory_space<hbm>>, %arg3: memref<8192x8192xf32, #tpu.memory_space<hbm>>, %arg4: memref<4096x8192xf32, #tpu.memory_space<hbm>>, %arg5: memref<64x2xi32, #tpu.memory_space<vmem>>, %arg6: memref<2x8192xf32, #tpu.memory_space<vmem>>, %arg7: memref<2x8192xf32, #tpu.memory_space<vmem>>, %arg8: memref<2x8192xf32, #tpu.memory_space<vmem>>, %arg9: memref<2x8192xf32, #tpu.memory_space<vmem>>, %arg10: memref<!tpu.dma_semaphore, #tpu.memory_space<semaphore_mem>>, %arg11: memref<!tpu.dma_semaphore, #tpu.memory_space<semaphore_mem>>, %arg12: memref<!tpu.dma_semaphore, #tpu.memory_space<semaphore_mem>>, %arg13: memref<!tpu.dma_semaphore, #tpu.memory_space<semaphore_mem>>, %arg14: memref<!tpu.dma_semaphore, #tpu.memory_space<semaphore_mem>>, %arg15: memref<!tpu.dma_semaphore, #tpu.memory_space<semaphore_mem>>, %arg16: memref<!tpu.dma_semaphore, #tpu.memory_space<semaphore_mem>>, %arg17: memref<!tpu.dma_semaphore, #tpu.memory_space<semaphore_mem>>) attributes {dimension_semantics = [#tpu.dimension_semantics<core_parallel>, #tpu.dimension_semantics<subcore_parallel>], iteration_bounds = array<i64: 2, 16>, scalar_prefetch = 0 : i64, scratch_operands = 13 : i64, tpu.core_type = #tpu.core_type<sc_vector_subcore>, window_params = [{transform_indices = #map}, {transform_indices = #map1}, {transform_indices = #map1}]} {
    %mul3A = arith.constant 2 : i32
    %mul3A_0 = arith.muli %arg1, %mul3A : i32
    %add3A = arith.addi %mul3A_0, %arg0 : i32
    %mul3A_1 = arith.constant 128 : i32
    %mul3A_2 = arith.muli %add3A, %mul3A_1 : i32
    "tpu.region"() ({
      %run_scoped3A = tpu.sem_alloc : memref<!tpu.dma_semaphore, #tpu.memory_space<semaphore_mem>>
      %dma_start3A_49 = arith.constant 0 : i32
      %dma_start3A_50 = arith.constant 0 : i32
      %dma_start3A_51 = tpu.memref_slice %arg2[%add3A, %dma_start3A_49, %dma_start3A_50] : memref<32x64x2xi32, #tpu.memory_space<hbm>> -> memref<1x64x2xi32, #tpu.memory_space<hbm>>
      %dma_start3A_52 = tpu.memref_squeeze %dma_start3A_51 : memref<1x64x2xi32, #tpu.memory_space<hbm>> -> memref<64x2xi32, #tpu.memory_space<hbm>>
      %dma_start3A_53 = arith.constant 0 : i32
      %dma_start3A_54 = arith.constant 0 : i32
      %dma_start3A_55 = tpu.memref_slice %arg2[%add3A, %dma_start3A_53, %dma_start3A_54] : memref<32x64x2xi32, #tpu.memory_space<hbm>> -> memref<1x64x2xi32, #tpu.memory_space<hbm>>
      %dma_start3A_56 = tpu.memref_squeeze %dma_start3A_55 : memref<1x64x2xi32, #tpu.memory_space<hbm>> -> memref<64x2xi32, #tpu.memory_space<hbm>>
      tpu.enqueue_dma source(%dma_start3A_56 : memref<64x2xi32, #tpu.memory_space<hbm>>) target(%arg5 : memref<64x2xi32, #tpu.memory_space<vmem>>) target_semaphore(%run_scoped3A : memref<!tpu.dma_semaphore, #tpu.memory_space<semaphore_mem>>)
      %dma_wait3A_57 = arith.constant 0 : i32
      %dma_wait3A_58 = arith.constant 0 : i32
      %dma_wait3A_59 = tpu.memref_slice %arg2[%add3A, %dma_wait3A_57, %dma_wait3A_58] : memref<32x64x2xi32, #tpu.memory_space<hbm>> -> memref<1x64x2xi32, #tpu.memory_space<hbm>>
      %dma_wait3A_60 = tpu.memref_squeeze %dma_wait3A_59 : memref<1x64x2xi32, #tpu.memory_space<hbm>> -> memref<64x2xi32, #tpu.memory_space<hbm>>
      %dma_wait3A_61 = arith.constant 0 : i32
      %dma_wait3A_62 = arith.constant 0 : i32
      %dma_wait3A_63 = tpu.memref_slice %arg2[%add3A, %dma_wait3A_61, %dma_wait3A_62] : memref<32x64x2xi32, #tpu.memory_space<hbm>> -> memref<1x64x2xi32, #tpu.memory_space<hbm>>
      %dma_wait3A_64 = tpu.memref_squeeze %dma_wait3A_63 : memref<1x64x2xi32, #tpu.memory_space<hbm>> -> memref<64x2xi32, #tpu.memory_space<hbm>>
      tpu.wait_dma2 semaphore(%run_scoped3A : memref<!tpu.dma_semaphore, #tpu.memory_space<semaphore_mem>>) src(%dma_wait3A_64 : memref<64x2xi32, #tpu.memory_space<hbm>>) dst(%arg5 : memref<64x2xi32, #tpu.memory_space<vmem>>)
      tpu.yield
    }) : () -> ()
    %dma_start3A = arith.constant 0 : i32
    %dma_start3A_3 = arith.constant 0 : i32
    %dma_start3A_4 = tpu.memref_slice %arg5[%dma_start3A, %dma_start3A_3] : memref<64x2xi32, #tpu.memory_space<vmem>> -> memref<1x2xi32, #tpu.memory_space<vmem>>
    %dma_start3A_5 = tpu.memref_squeeze %dma_start3A_4 : memref<1x2xi32, #tpu.memory_space<vmem>> -> memref<2xi32, #tpu.memory_space<vmem>>
    %dma_start3A_6 = arith.constant 0 : i32
    %dma_start3A_7 = arith.constant 0 : i32
    %dma_start3A_8 = tpu.memref_slice %arg3[%dma_start3A_6, %dma_start3A_7] : memref<8192x8192xf32, #tpu.memory_space<hbm>> -> memref<8192x8192xf32, #tpu.memory_space<hbm>>
    tpu.enqueue_indirect_dma source(%dma_start3A_8 : memref<8192x8192xf32, #tpu.memory_space<hbm>>) target(%arg6 : memref<2x8192xf32, #tpu.memory_space<vmem>>) offsets(%dma_start3A_5 : memref<2xi32, #tpu.memory_space<vmem>>) semaphore(%arg10 : memref<!tpu.dma_semaphore, #tpu.memory_space<semaphore_mem>>)
    %dma_start3A_9 = arith.constant 1 : i32
    %dma_start3A_10 = arith.constant 0 : i32
    %dma_start3A_11 = tpu.memref_slice %arg5[%dma_start3A_9, %dma_start3A_10] : memref<64x2xi32, #tpu.memory_space<vmem>> -> memref<1x2xi32, #tpu.memory_space<vmem>>
    %dma_start3A_12 = tpu.memref_squeeze %dma_start3A_11 : memref<1x2xi32, #tpu.memory_space<vmem>> -> memref<2xi32, #tpu.memory_space<vmem>>
    %dma_start3A_13 = arith.constant 0 : i32
    %dma_start3A_14 = arith.constant 0 : i32
    %dma_start3A_15 = tpu.memref_slice %arg3[%dma_start3A_13, %dma_start3A_14] : memref<8192x8192xf32, #tpu.memory_space<hbm>> -> memref<8192x8192xf32, #tpu.memory_space<hbm>>
    tpu.enqueue_indirect_dma source(%dma_start3A_15 : memref<8192x8192xf32, #tpu.memory_space<hbm>>) target(%arg7 : memref<2x8192xf32, #tpu.memory_space<vmem>>) offsets(%dma_start3A_12 : memref<2xi32, #tpu.memory_space<vmem>>) semaphore(%arg11 : memref<!tpu.dma_semaphore, #tpu.memory_space<semaphore_mem>>)
    %dma_start3A_16 = arith.constant 2 : i32
    %dma_start3A_17 = arith.constant 0 : i32
    %dma_start3A_18 = tpu.memref_slice %arg5[%dma_start3A_16, %dma_start3A_17] : memref<64x2xi32, #tpu.memory_space<vmem>> -> memref<1x2xi32, #tpu.memory_space<vmem>>
    %dma_start3A_19 = tpu.memref_squeeze %dma_start3A_18 : memref<1x2xi32, #tpu.memory_space<vmem>> -> memref<2xi32, #tpu.memory_space<vmem>>
    %dma_start3A_20 = arith.constant 0 : i32
    %dma_start3A_21 = arith.constant 0 : i32
    %dma_start3A_22 = tpu.memref_slice %arg3[%dma_start3A_20, %dma_start3A_21] : memref<8192x8192xf32, #tpu.memory_space<hbm>> -> memref<8192x8192xf32, #tpu.memory_space<hbm>>
    tpu.enqueue_indirect_dma source(%dma_start3A_22 : memref<8192x8192xf32, #tpu.memory_space<hbm>>) target(%arg8 : memref<2x8192xf32, #tpu.memory_space<vmem>>) offsets(%dma_start3A_19 : memref<2xi32, #tpu.memory_space<vmem>>) semaphore(%arg12 : memref<!tpu.dma_semaphore, #tpu.memory_space<semaphore_mem>>)
    %dma_start3A_23 = arith.constant 3 : i32
    %dma_start3A_24 = arith.constant 0 : i32
    %dma_start3A_25 = tpu.memref_slice %arg5[%dma_start3A_23, %dma_start3A_24] : memref<64x2xi32, #tpu.memory_space<vmem>> -> memref<1x2xi32, #tpu.memory_space<vmem>>
    %dma_start3A_26 = tpu.memref_squeeze %dma_start3A_25 : memref<1x2xi32, #tpu.memory_space<vmem>> -> memref<2xi32, #tpu.memory_space<vmem>>
    %dma_start3A_27 = arith.constant 0 : i32
    %dma_start3A_28 = arith.constant 0 : i32
    %dma_start3A_29 = tpu.memref_slice %arg3[%dma_start3A_27, %dma_start3A_28] : memref<8192x8192xf32, #tpu.memory_space<hbm>> -> memref<8192x8192xf32, #tpu.memory_space<hbm>>
    tpu.enqueue_indirect_dma source(%dma_start3A_29 : memref<8192x8192xf32, #tpu.memory_space<hbm>>) target(%arg9 : memref<2x8192xf32, #tpu.memory_space<vmem>>) offsets(%dma_start3A_26 : memref<2xi32, #tpu.memory_space<vmem>>) semaphore(%arg13 : memref<!tpu.dma_semaphore, #tpu.memory_space<semaphore_mem>>)
    %scan3A = arith.constant 0 : i32
    %scan3A_30 = arith.constant 16 : i32
    %scan3A_31 = arith.addi %scan3A, %scan3A_30 : i32
    %scan3A_32 = arith.constant 1 : i32
    scf.for %scan3A_49 = %scan3A to %scan3A_31 step %scan3A_32  : i32 {
      %mul3A_50 = arith.constant 1 : i32
      %mul3A_51 = arith.muli %scan3A_49, %mul3A_50 : i32
      %add3A_52 = arith.constant 0 : i32
      %add3A_53 = arith.addi %add3A_52, %mul3A_51 : i32
      %mul3A_54 = arith.constant 4 : i32
      %mul3A_55 = arith.muli %add3A_53, %mul3A_54 : i32
      %dma_wait3A_56 = arith.constant 0 : i32
      %dma_wait3A_57 = arith.constant 0 : i32
      %dma_wait3A_58 = tpu.memref_slice %arg5[%dma_wait3A_56, %dma_wait3A_57] : memref<64x2xi32, #tpu.memory_space<vmem>> -> memref<1x2xi32, #tpu.memory_space<vmem>>
      %dma_wait3A_59 = tpu.memref_squeeze %dma_wait3A_58 : memref<1x2xi32, #tpu.memory_space<vmem>> -> memref<2xi32, #tpu.memory_space<vmem>>
      %dma_wait3A_60 = arith.constant 0 : i32
      %dma_wait3A_61 = arith.constant 0 : i32
      %dma_wait3A_62 = tpu.memref_slice %arg3[%dma_wait3A_60, %dma_wait3A_61] : memref<8192x8192xf32, #tpu.memory_space<hbm>> -> memref<8192x8192xf32, #tpu.memory_space<hbm>>
      tpu.wait_indirect_dma semaphore(%arg10 : memref<!tpu.dma_semaphore, #tpu.memory_space<semaphore_mem>>) src(%dma_wait3A_62 : memref<8192x8192xf32, #tpu.memory_space<hbm>>) dst(%arg6 : memref<2x8192xf32, #tpu.memory_space<vmem>>)
      %add3A_63 = arith.constant 0 : i32
      %add3A_64 = arith.addi %mul3A_55, %add3A_63 : i32
      %mul3A_65 = arith.constant 2 : i32
      %mul3A_66 = arith.muli %add3A_64, %mul3A_65 : i32
      %add3A_67 = arith.addi %mul3A_2, %mul3A_66 : i32
      %dma_start3A_68 = arith.constant 0 : i32
      %dma_start3A_69 = tpu.memref_slice %arg4[%add3A_67, %dma_start3A_68] : memref<4096x8192xf32, #tpu.memory_space<hbm>> -> memref<2x8192xf32, #tpu.memory_space<hbm>>
      %dma_start3A_70 = arith.constant 0 : i32
      %dma_start3A_71 = tpu.memref_slice %arg4[%add3A_67, %dma_start3A_70] : memref<4096x8192xf32, #tpu.memory_space<hbm>> -> memref<2x8192xf32, #tpu.memory_space<hbm>>
      tpu.enqueue_dma source(%arg6 : memref<2x8192xf32, #tpu.memory_space<vmem>>) target(%dma_start3A_71 : memref<2x8192xf32, #tpu.memory_space<hbm>>) target_semaphore(%arg14 : memref<!tpu.dma_semaphore, #tpu.memory_space<semaphore_mem>>)
      %dma_wait3A_72 = arith.constant 0 : i32
      %dma_wait3A_73 = arith.constant 0 : i32
      %dma_wait3A_74 = tpu.memref_slice %arg5[%dma_wait3A_72, %dma_wait3A_73] : memref<64x2xi32, #tpu.memory_space<vmem>> -> memref<1x2xi32, #tpu.memory_space<vmem>>
      %dma_wait3A_75 = tpu.memref_squeeze %dma_wait3A_74 : memref<1x2xi32, #tpu.memory_space<vmem>> -> memref<2xi32, #tpu.memory_space<vmem>>
      %dma_wait3A_76 = arith.constant 0 : i32
      %dma_wait3A_77 = arith.constant 0 : i32
      %dma_wait3A_78 = tpu.memref_slice %arg3[%dma_wait3A_76, %dma_wait3A_77] : memref<8192x8192xf32, #tpu.memory_space<hbm>> -> memref<8192x8192xf32, #tpu.memory_space<hbm>>
      tpu.wait_indirect_dma semaphore(%arg11 : memref<!tpu.dma_semaphore, #tpu.memory_space<semaphore_mem>>) src(%dma_wait3A_78 : memref<8192x8192xf32, #tpu.memory_space<hbm>>) dst(%arg7 : memref<2x8192xf32, #tpu.memory_space<vmem>>)
      %add3A_79 = arith.constant 1 : i32
      %add3A_80 = arith.addi %mul3A_55, %add3A_79 : i32
      %mul3A_81 = arith.constant 2 : i32
      %mul3A_82 = arith.muli %add3A_80, %mul3A_81 : i32
      %add3A_83 = arith.addi %mul3A_2, %mul3A_82 : i32
      %dma_start3A_84 = arith.constant 0 : i32
      %dma_start3A_85 = tpu.memref_slice %arg4[%add3A_83, %dma_start3A_84] : memref<4096x8192xf32, #tpu.memory_space<hbm>> -> memref<2x8192xf32, #tpu.memory_space<hbm>>
      %dma_start3A_86 = arith.constant 0 : i32
      %dma_start3A_87 = tpu.memref_slice %arg4[%add3A_83, %dma_start3A_86] : memref<4096x8192xf32, #tpu.memory_space<hbm>> -> memref<2x8192xf32, #tpu.memory_space<hbm>>
      tpu.enqueue_dma source(%arg7 : memref<2x8192xf32, #tpu.memory_space<vmem>>) target(%dma_start3A_87 : memref<2x8192xf32, #tpu.memory_space<hbm>>) target_semaphore(%arg15 : memref<!tpu.dma_semaphore, #tpu.memory_space<semaphore_mem>>)
      %dma_wait3A_88 = arith.constant 0 : i32
      %dma_wait3A_89 = arith.constant 0 : i32
      %dma_wait3A_90 = tpu.memref_slice %arg5[%dma_wait3A_88, %dma_wait3A_89] : memref<64x2xi32, #tpu.memory_space<vmem>> -> memref<1x2xi32, #tpu.memory_space<vmem>>
      %dma_wait3A_91 = tpu.memref_squeeze %dma_wait3A_90 : memref<1x2xi32, #tpu.memory_space<vmem>> -> memref<2xi32, #tpu.memory_space<vmem>>
      %dma_wait3A_92 = arith.constant 0 : i32
      %dma_wait3A_93 = arith.constant 0 : i32
      %dma_wait3A_94 = tpu.memref_slice %arg3[%dma_wait3A_92, %dma_wait3A_93] : memref<8192x8192xf32, #tpu.memory_space<hbm>> -> memref<8192x8192xf32, #tpu.memory_space<hbm>>
      tpu.wait_indirect_dma semaphore(%arg12 : memref<!tpu.dma_semaphore, #tpu.memory_space<semaphore_mem>>) src(%dma_wait3A_94 : memref<8192x8192xf32, #tpu.memory_space<hbm>>) dst(%arg8 : memref<2x8192xf32, #tpu.memory_space<vmem>>)
      %add3A_95 = arith.constant 2 : i32
      %add3A_96 = arith.addi %mul3A_55, %add3A_95 : i32
      %mul3A_97 = arith.constant 2 : i32
      %mul3A_98 = arith.muli %add3A_96, %mul3A_97 : i32
      %add3A_99 = arith.addi %mul3A_2, %mul3A_98 : i32
      %dma_start3A_100 = arith.constant 0 : i32
      %dma_start3A_101 = tpu.memref_slice %arg4[%add3A_99, %dma_start3A_100] : memref<4096x8192xf32, #tpu.memory_space<hbm>> -> memref<2x8192xf32, #tpu.memory_space<hbm>>
      %dma_start3A_102 = arith.constant 0 : i32
      %dma_start3A_103 = tpu.memref_slice %arg4[%add3A_99, %dma_start3A_102] : memref<4096x8192xf32, #tpu.memory_space<hbm>> -> memref<2x8192xf32, #tpu.memory_space<hbm>>
      tpu.enqueue_dma source(%arg8 : memref<2x8192xf32, #tpu.memory_space<vmem>>) target(%dma_start3A_103 : memref<2x8192xf32, #tpu.memory_space<hbm>>) target_semaphore(%arg16 : memref<!tpu.dma_semaphore, #tpu.memory_space<semaphore_mem>>)
      %dma_wait3A_104 = arith.constant 0 : i32
      %dma_wait3A_105 = arith.constant 0 : i32
      %dma_wait3A_106 = tpu.memref_slice %arg5[%dma_wait3A_104, %dma_wait3A_105] : memref<64x2xi32, #tpu.memory_space<vmem>> -> memref<1x2xi32, #tpu.memory_space<vmem>>
      %dma_wait3A_107 = tpu.memref_squeeze %dma_wait3A_106 : memref<1x2xi32, #tpu.memory_space<vmem>> -> memref<2xi32, #tpu.memory_space<vmem>>
      %dma_wait3A_108 = arith.constant 0 : i32
      %dma_wait3A_109 = arith.constant 0 : i32
      %dma_wait3A_110 = tpu.memref_slice %arg3[%dma_wait3A_108, %dma_wait3A_109] : memref<8192x8192xf32, #tpu.memory_space<hbm>> -> memref<8192x8192xf32, #tpu.memory_space<hbm>>
      tpu.wait_indirect_dma semaphore(%arg13 : memref<!tpu.dma_semaphore, #tpu.memory_space<semaphore_mem>>) src(%dma_wait3A_110 : memref<8192x8192xf32, #tpu.memory_space<hbm>>) dst(%arg9 : memref<2x8192xf32, #tpu.memory_space<vmem>>)
      %add3A_111 = arith.constant 3 : i32
      %add3A_112 = arith.addi %mul3A_55, %add3A_111 : i32
      %mul3A_113 = arith.constant 2 : i32
      %mul3A_114 = arith.muli %add3A_112, %mul3A_113 : i32
      %add3A_115 = arith.addi %mul3A_2, %mul3A_114 : i32
      %dma_start3A_116 = arith.constant 0 : i32
      %dma_start3A_117 = tpu.memref_slice %arg4[%add3A_115, %dma_start3A_116] : memref<4096x8192xf32, #tpu.memory_space<hbm>> -> memref<2x8192xf32, #tpu.memory_space<hbm>>
      %dma_start3A_118 = arith.constant 0 : i32
      %dma_start3A_119 = tpu.memref_slice %arg4[%add3A_115, %dma_start3A_118] : memref<4096x8192xf32, #tpu.memory_space<hbm>> -> memref<2x8192xf32, #tpu.memory_space<hbm>>
      tpu.enqueue_dma source(%arg9 : memref<2x8192xf32, #tpu.memory_space<vmem>>) target(%dma_start3A_119 : memref<2x8192xf32, #tpu.memory_space<hbm>>) target_semaphore(%arg17 : memref<!tpu.dma_semaphore, #tpu.memory_space<semaphore_mem>>)
      %add3A_120 = arith.constant 4 : i32
      %add3A_121 = arith.addi %mul3A_55, %add3A_120 : i32
      %add3A_122 = arith.constant 0 : i32
      %add3A_123 = arith.addi %add3A_121, %add3A_122 : i32
      %lt3A = arith.constant 64 : i32
      %lt3A_124 = arith.cmpi slt, %add3A_123, %lt3A : i32
      %convert_element_type3A = arith.extui %lt3A_124 : i1 to i32
      %cond3A = arith.constant 0 : i32
      %cond3A_125 = arith.cmpi ne, %convert_element_type3A, %cond3A : i32
      scf.if %cond3A_125 {
        %dma_wait3A_153 = arith.constant 0 : i32
        %dma_wait3A_154 = tpu.memref_slice %arg4[%mul3A_2, %dma_wait3A_153] : memref<4096x8192xf32, #tpu.memory_space<hbm>> -> memref<2x8192xf32, #tpu.memory_space<hbm>>
        %dma_wait3A_155 = arith.constant 0 : i32
        %dma_wait3A_156 = tpu.memref_slice %arg4[%mul3A_2, %dma_wait3A_155] : memref<4096x8192xf32, #tpu.memory_space<hbm>> -> memref<2x8192xf32, #tpu.memory_space<hbm>>
        tpu.wait_dma2 semaphore(%arg14 : memref<!tpu.dma_semaphore, #tpu.memory_space<semaphore_mem>>) src(%arg6 : memref<2x8192xf32, #tpu.memory_space<vmem>>) dst(%dma_wait3A_156 : memref<2x8192xf32, #tpu.memory_space<hbm>>)
        %add3A_157 = arith.constant 4 : i32
        %add3A_158 = arith.addi %mul3A_55, %add3A_157 : i32
        %add3A_159 = arith.constant 0 : i32
        %add3A_160 = arith.addi %add3A_158, %add3A_159 : i32
        %dma_start3A_161 = arith.constant 0 : i32
        %dma_start3A_162 = tpu.memref_slice %arg5[%add3A_160, %dma_start3A_161] : memref<64x2xi32, #tpu.memory_space<vmem>> -> memref<1x2xi32, #tpu.memory_space<vmem>>
        %dma_start3A_163 = tpu.memref_squeeze %dma_start3A_162 : memref<1x2xi32, #tpu.memory_space<vmem>> -> memref<2xi32, #tpu.memory_space<vmem>>
        %dma_start3A_164 = arith.constant 0 : i32
        %dma_start3A_165 = arith.constant 0 : i32
        %dma_start3A_166 = tpu.memref_slice %arg3[%dma_start3A_164, %dma_start3A_165] : memref<8192x8192xf32, #tpu.memory_space<hbm>> -> memref<8192x8192xf32, #tpu.memory_space<hbm>>
        tpu.enqueue_indirect_dma source(%dma_start3A_166 : memref<8192x8192xf32, #tpu.memory_space<hbm>>) target(%arg6 : memref<2x8192xf32, #tpu.memory_space<vmem>>) offsets(%dma_start3A_163 : memref<2xi32, #tpu.memory_space<vmem>>) semaphore(%arg10 : memref<!tpu.dma_semaphore, #tpu.memory_space<semaphore_mem>>)
      } else {
      }
      %add3A_126 = arith.constant 4 : i32
      %add3A_127 = arith.addi %mul3A_55, %add3A_126 : i32
      %add3A_128 = arith.constant 1 : i32
      %add3A_129 = arith.addi %add3A_127, %add3A_128 : i32
      %lt3A_130 = arith.constant 64 : i32
      %lt3A_131 = arith.cmpi slt, %add3A_129, %lt3A_130 : i32
      %convert_element_type3A_132 = arith.extui %lt3A_131 : i1 to i32
      %cond3A_133 = arith.constant 0 : i32
      %cond3A_134 = arith.cmpi ne, %convert_element_type3A_132, %cond3A_133 : i32
      scf.if %cond3A_134 {
        %dma_wait3A_153 = arith.constant 0 : i32
        %dma_wait3A_154 = tpu.memref_slice %arg4[%mul3A_2, %dma_wait3A_153] : memref<4096x8192xf32, #tpu.memory_space<hbm>> -> memref<2x8192xf32, #tpu.memory_space<hbm>>
        %dma_wait3A_155 = arith.constant 0 : i32
        %dma_wait3A_156 = tpu.memref_slice %arg4[%mul3A_2, %dma_wait3A_155] : memref<4096x8192xf32, #tpu.memory_space<hbm>> -> memref<2x8192xf32, #tpu.memory_space<hbm>>
        tpu.wait_dma2 semaphore(%arg15 : memref<!tpu.dma_semaphore, #tpu.memory_space<semaphore_mem>>) src(%arg7 : memref<2x8192xf32, #tpu.memory_space<vmem>>) dst(%dma_wait3A_156 : memref<2x8192xf32, #tpu.memory_space<hbm>>)
        %add3A_157 = arith.constant 4 : i32
        %add3A_158 = arith.addi %mul3A_55, %add3A_157 : i32
        %add3A_159 = arith.constant 1 : i32
        %add3A_160 = arith.addi %add3A_158, %add3A_159 : i32
        %dma_start3A_161 = arith.constant 0 : i32
        %dma_start3A_162 = tpu.memref_slice %arg5[%add3A_160, %dma_start3A_161] : memref<64x2xi32, #tpu.memory_space<vmem>> -> memref<1x2xi32, #tpu.memory_space<vmem>>
        %dma_start3A_163 = tpu.memref_squeeze %dma_start3A_162 : memref<1x2xi32, #tpu.memory_space<vmem>> -> memref<2xi32, #tpu.memory_space<vmem>>
        %dma_start3A_164 = arith.constant 0 : i32
        %dma_start3A_165 = arith.constant 0 : i32
        %dma_start3A_166 = tpu.memref_slice %arg3[%dma_start3A_164, %dma_start3A_165] : memref<8192x8192xf32, #tpu.memory_space<hbm>> -> memref<8192x8192xf32, #tpu.memory_space<hbm>>
        tpu.enqueue_indirect_dma source(%dma_start3A_166 : memref<8192x8192xf32, #tpu.memory_space<hbm>>) target(%arg7 : memref<2x8192xf32, #tpu.memory_space<vmem>>) offsets(%dma_start3A_163 : memref<2xi32, #tpu.memory_space<vmem>>) semaphore(%arg11 : memref<!tpu.dma_semaphore, #tpu.memory_space<semaphore_mem>>)
      } else {
      }
      %add3A_135 = arith.constant 4 : i32
      %add3A_136 = arith.addi %mul3A_55, %add3A_135 : i32
      %add3A_137 = arith.constant 2 : i32
      %add3A_138 = arith.addi %add3A_136, %add3A_137 : i32
      %lt3A_139 = arith.constant 64 : i32
      %lt3A_140 = arith.cmpi slt, %add3A_138, %lt3A_139 : i32
      %convert_element_type3A_141 = arith.extui %lt3A_140 : i1 to i32
      %cond3A_142 = arith.constant 0 : i32
      %cond3A_143 = arith.cmpi ne, %convert_element_type3A_141, %cond3A_142 : i32
      scf.if %cond3A_143 {
        %dma_wait3A_153 = arith.constant 0 : i32
        %dma_wait3A_154 = tpu.memref_slice %arg4[%mul3A_2, %dma_wait3A_153] : memref<4096x8192xf32, #tpu.memory_space<hbm>> -> memref<2x8192xf32, #tpu.memory_space<hbm>>
        %dma_wait3A_155 = arith.constant 0 : i32
        %dma_wait3A_156 = tpu.memref_slice %arg4[%mul3A_2, %dma_wait3A_155] : memref<4096x8192xf32, #tpu.memory_space<hbm>> -> memref<2x8192xf32, #tpu.memory_space<hbm>>
        tpu.wait_dma2 semaphore(%arg16 : memref<!tpu.dma_semaphore, #tpu.memory_space<semaphore_mem>>) src(%arg8 : memref<2x8192xf32, #tpu.memory_space<vmem>>) dst(%dma_wait3A_156 : memref<2x8192xf32, #tpu.memory_space<hbm>>)
        %add3A_157 = arith.constant 4 : i32
        %add3A_158 = arith.addi %mul3A_55, %add3A_157 : i32
        %add3A_159 = arith.constant 2 : i32
        %add3A_160 = arith.addi %add3A_158, %add3A_159 : i32
        %dma_start3A_161 = arith.constant 0 : i32
        %dma_start3A_162 = tpu.memref_slice %arg5[%add3A_160, %dma_start3A_161] : memref<64x2xi32, #tpu.memory_space<vmem>> -> memref<1x2xi32, #tpu.memory_space<vmem>>
        %dma_start3A_163 = tpu.memref_squeeze %dma_start3A_162 : memref<1x2xi32, #tpu.memory_space<vmem>> -> memref<2xi32, #tpu.memory_space<vmem>>
        %dma_start3A_164 = arith.constant 0 : i32
        %dma_start3A_165 = arith.constant 0 : i32
        %dma_start3A_166 = tpu.memref_slice %arg3[%dma_start3A_164, %dma_start3A_165] : memref<8192x8192xf32, #tpu.memory_space<hbm>> -> memref<8192x8192xf32, #tpu.memory_space<hbm>>
        tpu.enqueue_indirect_dma source(%dma_start3A_166 : memref<8192x8192xf32, #tpu.memory_space<hbm>>) target(%arg8 : memref<2x8192xf32, #tpu.memory_space<vmem>>) offsets(%dma_start3A_163 : memref<2xi32, #tpu.memory_space<vmem>>) semaphore(%arg12 : memref<!tpu.dma_semaphore, #tpu.memory_space<semaphore_mem>>)
      } else {
      }
      %add3A_144 = arith.constant 4 : i32
      %add3A_145 = arith.addi %mul3A_55, %add3A_144 : i32
      %add3A_146 = arith.constant 3 : i32
      %add3A_147 = arith.addi %add3A_145, %add3A_146 : i32
      %lt3A_148 = arith.constant 64 : i32
      %lt3A_149 = arith.cmpi slt, %add3A_147, %lt3A_148 : i32
      %convert_element_type3A_150 = arith.extui %lt3A_149 : i1 to i32
      %cond3A_151 = arith.constant 0 : i32
      %cond3A_152 = arith.cmpi ne, %convert_element_type3A_150, %cond3A_151 : i32
      scf.if %cond3A_152 {
        %dma_wait3A_153 = arith.constant 0 : i32
        %dma_wait3A_154 = tpu.memref_slice %arg4[%mul3A_2, %dma_wait3A_153] : memref<4096x8192xf32, #tpu.memory_space<hbm>> -> memref<2x8192xf32, #tpu.memory_space<hbm>>
        %dma_wait3A_155 = arith.constant 0 : i32
        %dma_wait3A_156 = tpu.memref_slice %arg4[%mul3A_2, %dma_wait3A_155] : memref<4096x8192xf32, #tpu.memory_space<hbm>> -> memref<2x8192xf32, #tpu.memory_space<hbm>>
        tpu.wait_dma2 semaphore(%arg17 : memref<!tpu.dma_semaphore, #tpu.memory_space<semaphore_mem>>) src(%arg9 : memref<2x8192xf32, #tpu.memory_space<vmem>>) dst(%dma_wait3A_156 : memref<2x8192xf32, #tpu.memory_space<hbm>>)
        %add3A_157 = arith.constant 4 : i32
        %add3A_158 = arith.addi %mul3A_55, %add3A_157 : i32
        %add3A_159 = arith.constant 3 : i32
        %add3A_160 = arith.addi %add3A_158, %add3A_159 : i32
        %dma_start3A_161 = arith.constant 0 : i32
        %dma_start3A_162 = tpu.memref_slice %arg5[%add3A_160, %dma_start3A_161] : memref<64x2xi32, #tpu.memory_space<vmem>> -> memref<1x2xi32, #tpu.memory_space<vmem>>
        %dma_start3A_163 = tpu.memref_squeeze %dma_start3A_162 : memref<1x2xi32, #tpu.memory_space<vmem>> -> memref<2xi32, #tpu.memory_space<vmem>>
        %dma_start3A_164 = arith.constant 0 : i32
        %dma_start3A_165 = arith.constant 0 : i32
        %dma_start3A_166 = tpu.memref_slice %arg3[%dma_start3A_164, %dma_start3A_165] : memref<8192x8192xf32, #tpu.memory_space<hbm>> -> memref<8192x8192xf32, #tpu.memory_space<hbm>>
        tpu.enqueue_indirect_dma source(%dma_start3A_166 : memref<8192x8192xf32, #tpu.memory_space<hbm>>) target(%arg9 : memref<2x8192xf32, #tpu.memory_space<vmem>>) offsets(%dma_start3A_163 : memref<2xi32, #tpu.memory_space<vmem>>) semaphore(%arg13 : memref<!tpu.dma_semaphore, #tpu.memory_space<semaphore_mem>>)
      } else {
      }
    }
    %scan3A_33 = arith.constant 16 : i32
    %dma_wait3A = arith.constant 0 : i32
    %dma_wait3A_34 = tpu.memref_slice %arg4[%mul3A_2, %dma_wait3A] : memref<4096x8192xf32, #tpu.memory_space<hbm>> -> memref<2x8192xf32, #tpu.memory_space<hbm>>
    %dma_wait3A_35 = arith.constant 0 : i32
    %dma_wait3A_36 = tpu.memref_slice %arg4[%mul3A_2, %dma_wait3A_35] : memref<4096x8192xf32, #tpu.memory_space<hbm>> -> memref<2x8192xf32, #tpu.memory_space<hbm>>
    tpu.wait_dma2 semaphore(%arg14 : memref<!tpu.dma_semaphore, #tpu.memory_space<semaphore_mem>>) src(%arg6 : memref<2x8192xf32, #tpu.memory_space<vmem>>) dst(%dma_wait3A_36 : memref<2x8192xf32, #tpu.memory_space<hbm>>)
    %dma_wait3A_37 = arith.constant 0 : i32
    %dma_wait3A_38 = tpu.memref_slice %arg4[%mul3A_2, %dma_wait3A_37] : memref<4096x8192xf32, #tpu.memory_space<hbm>> -> memref<2x8192xf32, #tpu.memory_space<hbm>>
    %dma_wait3A_39 = arith.constant 0 : i32
    %dma_wait3A_40 = tpu.memref_slice %arg4[%mul3A_2, %dma_wait3A_39] : memref<4096x8192xf32, #tpu.memory_space<hbm>> -> memref<2x8192xf32, #tpu.memory_space<hbm>>
    tpu.wait_dma2 semaphore(%arg15 : memref<!tpu.dma_semaphore, #tpu.memory_space<semaphore_mem>>) src(%arg7 : memref<2x8192xf32, #tpu.memory_space<vmem>>) dst(%dma_wait3A_40 : memref<2x8192xf32, #tpu.memory_space<hbm>>)
    %dma_wait3A_41 = arith.constant 0 : i32
    %dma_wait3A_42 = tpu.memref_slice %arg4[%mul3A_2, %dma_wait3A_41] : memref<4096x8192xf32, #tpu.memory_space<hbm>> -> memref<2x8192xf32, #tpu.memory_space<hbm>>
    %dma_wait3A_43 = arith.constant 0 : i32
    %dma_wait3A_44 = tpu.memref_slice %arg4[%mul3A_2, %dma_wait3A_43] : memref<4096x8192xf32, #tpu.memory_space<hbm>> -> memref<2x8192xf32, #tpu.memory_space<hbm>>
    tpu.wait_dma2 semaphore(%arg16 : memref<!tpu.dma_semaphore, #tpu.memory_space<semaphore_mem>>) src(%arg8 : memref<2x8192xf32, #tpu.memory_space<vmem>>) dst(%dma_wait3A_44 : memref<2x8192xf32, #tpu.memory_space<hbm>>)
    %dma_wait3A_45 = arith.constant 0 : i32
    %dma_wait3A_46 = tpu.memref_slice %arg4[%mul3A_2, %dma_wait3A_45] : memref<4096x8192xf32, #tpu.memory_space<hbm>> -> memref<2x8192xf32, #tpu.memory_space<hbm>>
    %dma_wait3A_47 = arith.constant 0 : i32
    %dma_wait3A_48 = tpu.memref_slice %arg4[%mul3A_2, %dma_wait3A_47] : memref<4096x8192xf32, #tpu.memory_space<hbm>> -> memref<2x8192xf32, #tpu.memory_space<hbm>>
    tpu.wait_dma2 semaphore(%arg17 : memref<!tpu.dma_semaphore, #tpu.memory_space<semaphore_mem>>) src(%arg9 : memref<2x8192xf32, #tpu.memory_space<vmem>>) dst(%dma_wait3A_48 : memref<2x8192xf32, #tpu.memory_space<hbm>>)
    return
  }
}

</mosaic_0001>

<sc_bundles>
// kernel: kernel.3.cloned.1.call-start
scs
__scs_entry_jumppad:
0x0: {  	(pc) =	sbr.rel $0x88, $3  }
0x1: {  	(tag) =	ssettag $0x0;
	lr =	simm.s32 $0x1  }
0x2: {  	[smem:$0x3F9F] =	sst lr;
	_ =	strace $0xD0000000  }
0x3: {  	_ = 	snop  }
0x4: {  	_ = 	snop  }
0x5: {  	_ = 	snop  }
0x6: {  	_ = 	snop  }
0x7: {  	_ = 	snop  }
__scs_overlays_trampoline_lowered:
0x8: {  	[smem:$0x3FAE] =	sst s0  }
0x9: {  	[smem:$0x3FAF] =	sst s1  }
0xa: {  	[smem:$0x3FB0] =	sst s2  }
0xb: {  	[smem:$0x3FB1] =	sst s3  }
0xc: {  	[smem:$0x3FB2] =	sst s4  }
0xd: {  	[smem:$0x3FB3] =	sst s5  }
0xe: {  	[smem:$0x3FB4] =	sst s6  }
0xf: {  	[smem:$0x3FB5] =	sst s7  }
0x10: {  	[smem:$0x3FB6] =	sst s8  }
0x11: {  	[smem:$0x3FB7] =	sst s9;
	s0 =	simm.s32 @!p0 $0x0  }
0x12: {  	s1 =	sld [smem:$0x3F9D];
	s0 =	simm.s32 @p0 $0x1  }
0x13: {  	[smem:$0x3FB8] =	sst s0;
	s0 =	simm.s32 @!p1 $0x0  }
0x14: {  	s2 =	sld [smem:$0x3F9C];
	s0 =	simm.s32 @p1 $0x1  }
0x15: {  	[smem:$0x3FB9] =	sst s0;
	s0 =	simm.s32 @!p2 $0x0  }
0x16: {  	s3 =	sld [smem:$0x3FDB];
	s0 =	simm.s32 @p2 $0x1  }
0x17: {  	s4 =	simm.s32 $0x1BF5;
	[smem:$0x3FBB] =	sst s0  }
0x18: {  	s0 =	sld [smem:$0x3F9E];
	_ =	swait.ge [sflag:s4], $0x0  }
0x19: {  	s7 =	sld [smem:$0x3F9F]  }
0x1a: {  	s8 =	sadd.s32 $0xFFFFE003, lr  }
0x1b: {  	s9 =	sadd.s32 $0xFFFFFEF7, lr;
	s5 =	simm.s32 $0xFFFFFFFF;
	p2 =	slt.u32 s8, $0xFFFFF086  }
0x1c: {  	p1 =	slt.u32 s9, $0xF7A;
	s5 =	simm.s32 @!p2 $0x0  }
0x1d: {  	s5 =	simm.s32 @p1 $0x1;
	p0 =	seq.s32 s7, s2  }
0x1e: {  	s7 =	smul.u32 @!p0 $0xF7A, s2;
	p2 =	seq.s32 @!p0 s5, $0x0  }
0x1f: {  	s9 =	smul.u32 $0xF7A, s1;
	s8 =	simm.s32 @!p0 $0x1BF5;
	p2 =	por !p2, p0  }
0x20: {  	[sflag:s8] =	ssyncset.s32 @!p0 $0xFFFFF086;
	s6 =	sadd.s32 @!p0 s3, s7;
	s7 =	simm.s32 @!p0 $0x108  }
0x21: {  	s3 =	sadd.s32 s3, s9;
	s6 =	sadd.s32 @!p0 $0x88, s6;
	s7 =	simm.s32 @p2 $0x1082  }
0x22: {  	[simem:s7], [sflag:s8] =	dma.local @!p0 [hbm:s6], $0xF7A  }
0x23: {  	s9 =	sor.u32 $0xD0000000, s2;
	s6 =	simm.s32 $0x108;
	_ =	swait.ge @!p0 [sflag:s8], $0x0  }
0x24: {  	s3 =	sadd.s32 $0x88, s3;
	s6 =	simm.s32 @!p1 $0x1082;
	[sflag:s4] =	ssyncset.s32 $0xFFFFF086  }
0x25: {  	[simem:s6], [sflag:s4] =	dma.local [hbm:s3], $0xF7A  }
0x26: {  	[smem:$0x3F9F] =	sst s1;
	(tag) =	ssettag s2;
	_ =	strace s9  }
0x27: {  	s1 =	sld [smem:$0x3FAF]  }
0x28: {  	s2 =	sld [smem:$0x3FB0]  }
0x29: {  	s4 =	sld [smem:$0x3FB2]  }
0x2a: {  	p0 =	seq.s32 s5, $0x0;
	s5 =	sld [smem:$0x3FB3]  }
0x2b: {  	s6 =	sld [smem:$0x3FB4]  }
0x2c: {  	s7 =	sld [smem:$0x3FB5]  }
0x2d: {  	s3 =	simm.s32 $0x108;
	s8 =	sld [smem:$0x3FB6]  }
0x2e: {  	s3 =	simm.s32 @!p0 $0x1082;
	s9 =	sld [smem:$0x3FB7]  }
0x2f: {  	lr =	sadd.s32 s0, s3;
	s0 =	sld [smem:$0x3FAE]  }
0x30: {  	s3 =	sld [smem:$0x3FB1]  }
0x31: {  	[smem:$0x3FBA] =	sst s10  }
0x32: {  	s10 =	sld [smem:$0x3FB8];
	_ =	sdelay $0x3  }
0x33: {  	p0 =	seq.s32 s10, $0x1;
	s10 =	sld [smem:$0x3FBA];
	_ =	sdelay $0x3  }
0x34: {  	[smem:$0x3FBA] =	sst s10  }
0x35: {  	s10 =	sld [smem:$0x3FB9];
	_ =	sdelay $0x3  }
0x36: {  	p1 =	seq.s32 s10, $0x1;
	s10 =	sld [smem:$0x3FBA];
	_ =	sdelay $0x3  }
0x37: {  	[smem:$0x3FBA] =	sst s10  }
0x38: {  	s10 =	sld [smem:$0x3FBB]  }
0x39: {  	_ = 	snop;
	(pc) =	sbr.ind lr, $3  }
0x3a: {  	_ = 	snop  }
0x3b: {  	_ = 	snop  }
0x3c: {  	p2 =	seq.s32 s10, $0x1;
	s10 =	sld [smem:$0x3FBA]  }
0x3d: {  	_ =	shalt  }
0x3e: {  	_ =	shalt  }
0x3f: {  	_ =	shalt  }
0x40: {  	_ =	shalt  }
0x41: {  	_ =	shalt  }
0x42: {  	_ =	shalt  }
0x43: {  	_ =	shalt  }
0x44: {  	_ =	shalt  }
0x45: {  	_ =	shalt  }
0x46: {  	_ =	shalt  }
0x47: {  	_ =	shalt  }
0x48: {  	_ =	shalt  }
0x49: {  	_ =	shalt  }
0x4a: {  	_ =	shalt  }
0x4b: {  	_ =	shalt  }
0x4c: {  	_ =	shalt  }
0x4d: {  	_ =	shalt  }
0x4e: {  	_ =	shalt  }
0x4f: {  	_ =	shalt  }
0x50: {  	_ =	shalt  }
0x51: {  	_ =	shalt  }
0x52: {  	_ =	shalt  }
0x53: {  	_ =	shalt  }
0x54: {  	_ =	shalt  }
0x55: {  	_ =	shalt  }
0x56: {  	_ =	shalt  }
0x57: {  	_ =	shalt  }
0x58: {  	_ =	shalt  }
0x59: {  	_ =	shalt  }
0x5a: {  	_ =	shalt  }
0x5b: {  	_ =	shalt  }
0x5c: {  	_ =	shalt  }
0x5d: {  	_ =	shalt  }
0x5e: {  	_ =	shalt  }
0x5f: {  	_ =	shalt  }
0x60: {  	_ =	shalt  }
0x61: {  	_ =	shalt  }
0x62: {  	_ =	shalt  }
0x63: {  	_ =	shalt  }
0x64: {  	_ =	shalt  }
0x65: {  	_ =	shalt  }
0x66: {  	_ =	shalt  }
0x67: {  	_ =	shalt  }
0x68: {  	_ =	shalt  }
0x69: {  	_ =	shalt  }
0x6a: {  	_ =	shalt  }
0x6b: {  	_ =	shalt  }
0x6c: {  	_ =	shalt  }
0x6d: {  	_ =	shalt  }
0x6e: {  	_ =	shalt  }
0x6f: {  	_ =	shalt  }
0x70: {  	_ =	shalt  }
0x71: {  	_ =	shalt  }
0x72: {  	_ =	shalt  }
0x73: {  	_ =	shalt  }
0x74: {  	_ =	shalt  }
0x75: {  	_ =	shalt  }
0x76: {  	_ =	shalt  }
0x77: {  	_ =	shalt  }
0x78: {  	_ =	shalt  }
0x79: {  	_ =	shalt  }
0x7a: {  	_ =	shalt  }
0x7b: {  	_ =	shalt  }
0x7c: {  	_ =	shalt  }
0x7d: {  	_ =	shalt  }
0x7e: {  	_ =	shalt  }
0x7f: {  	_ =	shalt  }
0x80: {  	_ =	shalt  }
0x81: {  	_ =	shalt  }
0x82: {  	_ =	shalt  }
0x83: {  	_ =	shalt  }
0x84: {  	_ =	shalt  }
0x85: {  	_ =	shalt  }
0x86: {  	_ =	shalt  }
0x87: {  	_ =	shalt  }
.Lfunc_end0:
.L_simem_size_0:
called_computation_lowered:
.L_overlay_start_0:
0x88: {  	s2 =	sld [smem:$0x3FD9]  }
0x89: {  	s3 =	sld [smem:$0x3FFE];
	_ =	sdelay $0x1  }
0x8a: {  	s1 =	srdreg.scid  }
0x8b: {  	s0 =	sand.u32 $0x1, s1  }
0x8c: {  	s17 =	sshll.u32 s0, $0xA;
	s2 =	sadd.s32 s3, s2  }
0x8d: {  	s2 =	sadd.s32 s2, s17  }
0x8e: {  	[smem:$0x3FC6] =	sst s2  }
0x8f: {  	_ = 	snop  }
0x90: {  	s2 =	sld [smem:$0x3FC8]  }
0x91: {  	s18 =	sld [smem:$0x3FD0];
	(tm) =	ssettm $0x1  }
0x92: {  	s4 =	sld [smem:$0x3FFB];
	_ =	sdelay $0x3  }
0x93: {  	_ =	strace s4  }
0x94: {  	s4 =	sld [smem:$0x3FFC];
	_ =	sdelay $0x3  }
0x95: {  	_ =	strace s4  }
0x96: {  	s4 =	sld [smem:$0x3FFD];
	_ =	sdelay $0x3  }
0x97: {  	_ =	strace s4  }
0x98: {  	_ =	strace $0x8FFFFFFF  }
0x99: {  	s19 =	sld [smem:$0x3FDB];
	_ =	sdelay $0x1  }
0x9a: {  	s5 =	simm.s32 $_scs_section_size  }
0x9b: {  	s6 =	simm.s32 $_size__tile_overlayer_lowered;
	s7 =	simm.s32 $_tile_overlayer_lowered  }
0x9c: {  	s22 =	simm.s32 $0x1BFF;
	s21 =	sshll.u32 s7, $0x1;
	s4 =	sadd.s32 s5, s19  }
0x9d: {  	s8 =	simm.s32 $0x0;
	s20 =	sshll.u32 s6, $0x1;
	s6 =	sadd.s32 s21, s4  }
0x9e: {  	[timem:s8], [sflag:s22] =	dma.local [hbm:s6], s20  }
0x9f: {  	_ =	swait.ge [sflag:s22], s20  }
0xa0: {  	s5 =	ssub.s32 $0x0, s20;
	[sflag:s22] =	ssyncset.done $0x0  }
0xa1: {  	[sflag:s22] =	ssyncadd.s32 s5;
	_ =	sdelay $0x1  }
0xa2: {  	s23 =	simm.s32 $0x1B8B  }
0xa3: {  	_ =	swait.ge [sflag:s23], $0x1  }
0xa4: {  	[sflag:s23] =	ssyncset.done $0x0  }
0xa5: {  	s25 =	simm.s32 $0x1B8E;
	s24 =	sld [smem:$0x3FFE];
	[sflag:s23] =	ssyncadd.s32 $0xFFFFFFFF  }
0xa6: {  	s26 =	simm.s32 $execute0_lowered;
	[smem:$0x3FD2] =	sst s25  }
0xa7: {  	s6 =	sshll.u32 s26, $0x1;
	_ =	strace $0x80000046;
	[dreg:$0x1] =	wrdreg $0xFFFFFFFF  }
0xa8: {  	s28 =	simm.s32 $_size_execute0_lowered;
	s4 =	sadd.s32 s4, s6;
	[dreg:$0x0] =	wrdreg $0x0  }
0xa9: {  	s6 =	sshll.u32 s28, $0x1;
	[dreg:$0x2] =	wrdreg s4  }
0xaa: {  	[dreg:$0x3] =	wrdreg s6  }
0xab: {  	[dreg:$0x4] =	wrdreg $0xC0  }
0xac: {  	_ =	task [dreg:s8], $0x5FFFF  }
0xad: {  	[dreg:$0x1] =	wrdreg $0xFFFFFFFF  }
0xae: {  	[dreg:$0x0] =	wrdreg $0x60  }
0xaf: {  	[dreg:$0x2] =	wrdreg s24  }
0xb0: {  	[dreg:$0x3] =	wrdreg s2  }
0xb1: {  	[dreg:$0x4] =	wrdreg s18  }
0xb2: {  	[dreg:$0x5] =	wrdreg $0x9  }
0xb3: {  	_ =	task.clear_ibuf [dreg:s8], $0x6FFFF;
	_ =	strace $0x90000046  }
0xb4: {  	s29 =	simm.s32 $0x9;
	_ =	strace $0x80000048  }
0xb5: {  	_ =	swait.ge [sflag:s29], $0x1  }
0xb6: {  	[sflag:s29] =	ssyncadd.s32 $0xFFFFFFFF  }
0xb7: {  	_ =	strace $0x90000048  }
0xb8: {  	_ =	sfence  }
0xb9: {  	s30 =	sld [smem:$0x0];
	_ =	sdelay $0x2  }
0xba: {  	s31 =	sshll.u32 s1, $0xD;
	s1 =	sshrl.u32 s1, $0x2  }
0xbb: {  	s3 =	sand.u32 $0x4000, s31;
	s1 =	sadd.s32 s1, s30  }
0xbc: {  	s0 =	sor.u32 s3, s0;
	s1 =	sshll.u32 s1, $0x11  }
0xbd: {  	s0 =	sor.u32 s1, s0  }
0xbe: {  	s0 =	sadd.s32 $0x8F2B, s0  }
0xbf: {  	[sflag:s0] =	ssyncadd.remote.s32 $0x1  }
0xc0: {  	_ =	sfence.sel $0xFFFF  }
0xc1: {  	[dreg:$0x0] =	wrdreg $0xFFFFFFFF;
	(pc) =	sbr.abs _section_cstart, $3  }
0xc2: {  	[dreg:$0x1] =	wrdreg $0xFFFFFFFF  }
0xc3: {  	_ =	task.clear_ibuf [dreg:s8], $0x2FFFF;
	_ =	strace $0x9FFFFFFF  }
0xc4: {  	(tm) =	ssettm $0x7FFFFFFF  }
0xc5: {  	_ =	shalt  }
tec
execute0_lowered:
.L_overlay_start_1:
0x0: {  	(tag) =	ssettag $0x1  }
0x1: {  	s0 =	rddreg [dreg:$0x0]  }
0x2: {  	s1 =	rddreg [dreg:$0x1]  }
0x3: {  	s2 =	rddreg [dreg:$0x2];
	s4 =	srdreg.scid;
	s3 =	simm.s32 $0x0  }
0x4: {  	s13 =	stileid.u32;
	s15 =	simm.s32 $0x2000;
	s23 =	simm.s32 $0x6000  }
0x5: {  	s19 =	simm.s32 $0xE000;
	s28 =	simm.s32 $0x11800;
	s29 =	simm.s32 $0x1  }
0x6: {  	s30 =	simm.s32 $0x100;
	s31 =	simm.s32 $0x400;
	s14 =	simm.s32 $0x5  }
0x7: {  	s16 =	simm.s32 $0x6;
	s17 =	simm.s32 $0x7;
	s18 =	simm.s32 $0x8  }
0x8: {  	s21 =	simm.s32 $0x0;
	s4 =	sand.u32 $0x1, s4;
	s5 =	sshll.u32 s13, $0xB  }
0x9: {  	[smem:$0x7FF] =	sst s3;
	s8 =	sadd.s32 $0x1000, s1;
	s9 =	sadd.s32 $0x1400, s1  }
0xa: {  	s10 =	sadd.s32 $0x1800, s1;
	s11 =	sadd.s32 $0x1C00, s1;
	s25 =	sshll.u32 s13, $0x12  }
0xb: {  	s6 =	sshll.u32 s4, $0xA;
	s7 =	ssub.s32 $0x2, s4;
	_ =	strace $0x80000047  }
0xc: {  	s26 =	sshll.u32 s4, $0x11;
	s4 =	simm.s32 $0x3;
	s5 =	sor.u32 s6, s5  }
0xd: {  	s24 =	sshrl.u32 s7, $0x1;
	s6 =	sadd.s32 $0x800, s1;
	s0 =	sadd.s32 s5, s0  }
.Ltmp0:
0xe: {  	s12 =	ssub.s32 s7, s24;
	s0 =	sadd.s32 $0x400, s0;
	(pc) =	sbr.rel .LBB2_1-.Ltmp0, $4  }
0xf: {  	s5 =	sadd.s32 $0x400, s1;
	s12 =	smax.u32 s12, $0x1;
	[dreg:$0x4] =	wrdreg s0  }
0x10: {  	v0 =	vlaneseq.u32;
	s7 =	sadd.s32 $0xC00, s1;
	[dreg:$0x5] =	wrdreg s12;
	s0 =	sadd.s32 s25, s2  }
0x11: {  	v1 =	vshrl.u32 v0, $0x1;
	s25 =	simm.s32 $0x10800;
	s2 =	simm.s32 $0x2;
	s12 =	simm.s32 $0x4  }
0x12: {  	vm0 =	vmmov $0xffff;
	v0 =	vand.u32 $0x1, v0;
	v1 =	vmul.u32 $0x8, v1;
	s13 =	sadd.s32 s26, s0;
	s0 =	simm.s32 $0xA000;
	s26 =	simm.s32 $0x11000  }
.LBB2_4:
0x13: {  	_ =	swait.ge [sflag:s14], $0x4000  }
0x14: {  	[sflag:s14] =	ssyncset.done $0x0  }
0x15: {  	[sflag:s14] =	ssyncadd.s32 $0xFFFFC000  }
0x16: {  	_ =	swait.ge [sflag:s16], $0x4000  }
0x17: {  	[sflag:s16] =	ssyncset.done $0x0  }
0x18: {  	[sflag:s16] =	ssyncadd.s32 $0xFFFFC000  }
0x19: {  	_ =	swait.ge [sflag:s17], $0x4000  }
0x1a: {  	[sflag:s17] =	ssyncset.done $0x0  }
0x1b: {  	[sflag:s17] =	ssyncadd.s32 $0xFFFFC000  }
0x1c: {  	_ =	swait.ge [sflag:s18], $0x4000  }
0x1d: {  	s21 =	rddreg [dreg:$0x6]  }
0x1e: {  	s20 =	rddreg [dreg:$0x5];
	s21 =	sadd.s32 $0x1, s21  }
0x1f: {  	p0 =	sne.s32 s21, s20  }
.Ltmp1:
0x20: {  	_ = 	snop;
	(pc) =	sbr.rel @!p0 .LBB2_5-.Ltmp1, $3  }
0x21: {  	_ =	sdelay $0x1  }
0x22: {  	[sflag:s18] =	ssyncset.done $0x0  }
0x23: {  	[sflag:s18] =	ssyncadd.s32 $0xFFFFC000  }
.LBB2_1:
0x24: {  	[dreg:$0x6] =	wrdreg s21  }
0x25: {  	s20 =	rddreg [dreg:$0x4];
	s22 =	simm.s32 $0x9  }
0x26: {  	[tilespmem:s3], [sflag:$0x9] =	stream.linear.gather [hbm4b:s20+s3], $0x2000, $0x38;
	[tilespmem:$0x12000] =	vst v63  }
0x27: {  	_ =	swait.ge [sflag:s22], $0x2000  }
0x28: {  	[sflag:s22] =	ssyncset.done $0x0  }
0x29: {  	[sflag:s22] =	ssyncadd.s32 $0xFFFFE000  }
0x2a: {  	v2 =	vld.msk [tilespmem:$0x0], $0x3;
	_ =	sdelay $0x4  }
0x2b: {  	v3 =	vshll.u32 v2, $0x6  }
0x2c: {  	v2 =	vand.u32 $0x7, v2;
	v3 =	vand.u32 $0xFFFFFE00, v3  }
0x2d: {  	v2 =	vor.u32 v2, v3  }
0x2e: {  	v2 =	vperm.xlane v2, v0;
	_ =	sdelay $0x1  }
0x2f: {  	v2 =	vadd.s32 v1, v2;
	_ =	sdelay $0x4  }
0x30: {  	[tilespmem:s15], [sflag:$0x1] =	stream.indirect_vreg.gather [hbm4b:s1+s3], $0x80, v2, vm0, $0xb8;
	[tilespmem:$0x12000] =	vst v63  }
0x31: {  	s24 =	simm.s32 $0x2800  }
0x32: {  	[tilespmem:s24], [sflag:$0x1] =	stream.indirect_vreg.gather [hbm4b:s5+s3], $0x80, v2, vm0, $0xb8;
	[tilespmem:$0x12000] =	vst v63  }
0x33: {  	s21 =	simm.s32 $0x3000  }
0x34: {  	[tilespmem:s21], [sflag:$0x1] =	stream.indirect_vreg.gather [hbm4b:s6+s3], $0x80, v2, vm0, $0xb8;
	[tilespmem:$0x12000] =	vst v63  }
0x35: {  	s22 =	simm.s32 $0x3800  }
0x36: {  	[tilespmem:s22], [sflag:$0x1] =	stream.indirect_vreg.gather [hbm4b:s7+s3], $0x80, v2, vm0, $0xb8;
	[tilespmem:$0x12000] =	vst v63  }
0x37: {  	s24 =	simm.s32 $0x4000  }
0x38: {  	[tilespmem:s24], [sflag:$0x1] =	stream.indirect_vreg.gather [hbm4b:s8+s3], $0x80, v2, vm0, $0xb8;
	[tilespmem:$0x12000] =	vst v63  }
0x39: {  	s21 =	simm.s32 $0x4800  }
0x3a: {  	[tilespmem:s21], [sflag:$0x1] =	stream.indirect_vreg.gather [hbm4b:s9+s3], $0x80, v2, vm0, $0xb8;
	[tilespmem:$0x12000] =	vst v63  }
0x3b: {  	s22 =	simm.s32 $0x5000  }
0x3c: {  	[tilespmem:s22], [sflag:$0x1] =	stream.indirect_vreg.gather [hbm4b:s10+s3], $0x80, v2, vm0, $0xb8;
	[tilespmem:$0x12000] =	vst v63  }
0x3d: {  	s24 =	simm.s32 $0x5800  }
0x3e: {  	[tilespmem:s24], [sflag:$0x1] =	stream.indirect_vreg.gather [hbm4b:s11+s3], $0x80, v2, vm0, $0xb8;
	[tilespmem:$0x12000] =	vst v63  }
0x3f: {  	v2 =	vld.msk [tilespmem:$0x80], $0x3;
	_ =	sdelay $0x4  }
0x40: {  	v3 =	vshll.u32 v2, $0x6  }
0x41: {  	v2 =	vand.u32 $0x7, v2;
	v3 =	vand.u32 $0xFFFFFE00, v3  }
0x42: {  	v2 =	vor.u32 v2, v3  }
0x43: {  	v2 =	vperm.xlane v2, v0;
	_ =	sdelay $0x1  }
0x44: {  	v2 =	vadd.s32 v1, v2;
	_ =	sdelay $0x4  }
0x45: {  	[tilespmem:s23], [sflag:$0x2] =	stream.indirect_vreg.gather [hbm4b:s1+s3], $0x80, v2, vm0, $0xb8;
	[tilespmem:$0x12000] =	vst v63  }
0x46: {  	s21 =	simm.s32 $0x6800  }
0x47: {  	[tilespmem:s21], [sflag:$0x2] =	stream.indirect_vreg.gather [hbm4b:s5+s3], $0x80, v2, vm0, $0xb8;
	[tilespmem:$0x12000] =	vst v63  }
0x48: {  	s22 =	simm.s32 $0x7000  }
0x49: {  	[tilespmem:s22], [sflag:$0x2] =	stream.indirect_vreg.gather [hbm4b:s6+s3], $0x80, v2, vm0, $0xb8;
	[tilespmem:$0x12000] =	vst v63  }
0x4a: {  	s24 =	simm.s32 $0x7800  }
0x4b: {  	[tilespmem:s24], [sflag:$0x2] =	stream.indirect_vreg.gather [hbm4b:s7+s3], $0x80, v2, vm0, $0xb8;
	[tilespmem:$0x12000] =	vst v63  }
0x4c: {  	s21 =	simm.s32 $0x8000  }
0x4d: {  	[tilespmem:s21], [sflag:$0x2] =	stream.indirect_vreg.gather [hbm4b:s8+s3], $0x80, v2, vm0, $0xb8;
	[tilespmem:$0x12000] =	vst v63  }
0x4e: {  	s22 =	simm.s32 $0x8800  }
0x4f: {  	[tilespmem:s22], [sflag:$0x2] =	stream.indirect_vreg.gather [hbm4b:s9+s3], $0x80, v2, vm0, $0xb8;
	[tilespmem:$0x12000] =	vst v63  }
0x50: {  	s24 =	simm.s32 $0x9000  }
0x51: {  	[tilespmem:s24], [sflag:$0x2] =	stream.indirect_vreg.gather [hbm4b:s10+s3], $0x80, v2, vm0, $0xb8;
	[tilespmem:$0x12000] =	vst v63  }
0x52: {  	s21 =	simm.s32 $0x9800  }
0x53: {  	[tilespmem:s21], [sflag:$0x2] =	stream.indirect_vreg.gather [hbm4b:s11+s3], $0x80, v2, vm0, $0xb8;
	[tilespmem:$0x12000] =	vst v63  }
0x54: {  	v2 =	vld.msk [tilespmem:$0x100], $0x3;
	_ =	sdelay $0x4  }
0x55: {  	v3 =	vshll.u32 v2, $0x6  }
0x56: {  	v2 =	vand.u32 $0x7, v2;
	v3 =	vand.u32 $0xFFFFFE00, v3  }
0x57: {  	v2 =	vor.u32 v2, v3  }
0x58: {  	v2 =	vperm.xlane v2, v0;
	_ =	sdelay $0x1  }
0x59: {  	v2 =	vadd.s32 v1, v2;
	_ =	sdelay $0x4  }
0x5a: {  	[tilespmem:s0], [sflag:$0x3] =	stream.indirect_vreg.gather [hbm4b:s1+s3], $0x80, v2, vm0, $0xb8;
	[tilespmem:$0x12000] =	vst v63  }
0x5b: {  	s22 =	simm.s32 $0xA800  }
0x5c: {  	[tilespmem:s22], [sflag:$0x3] =	stream.indirect_vreg.gather [hbm4b:s5+s3], $0x80, v2, vm0, $0xb8;
	[tilespmem:$0x12000] =	vst v63  }
0x5d: {  	s24 =	simm.s32 $0xB000  }
0x5e: {  	[tilespmem:s24], [sflag:$0x3] =	stream.indirect_vreg.gather [hbm4b:s6+s3], $0x80, v2, vm0, $0xb8;
	[tilespmem:$0x12000] =	vst v63  }
0x5f: {  	s21 =	simm.s32 $0xB800  }
0x60: {  	[tilespmem:s21], [sflag:$0x3] =	stream.indirect_vreg.gather [hbm4b:s7+s3], $0x80, v2, vm0, $0xb8;
	[tilespmem:$0x12000] =	vst v63  }
0x61: {  	s22 =	simm.s32 $0xC000  }
0x62: {  	[tilespmem:s22], [sflag:$0x3] =	stream.indirect_vreg.gather [hbm4b:s8+s3], $0x80, v2, vm0, $0xb8;
	[tilespmem:$0x12000] =	vst v63  }
0x63: {  	s24 =	simm.s32 $0xC800  }
0x64: {  	[tilespmem:s24], [sflag:$0x3] =	stream.indirect_vreg.gather [hbm4b:s9+s3], $0x80, v2, vm0, $0xb8;
	[tilespmem:$0x12000] =	vst v63  }
0x65: {  	s21 =	simm.s32 $0xD000  }
0x66: {  	[tilespmem:s21], [sflag:$0x3] =	stream.indirect_vreg.gather [hbm4b:s10+s3], $0x80, v2, vm0, $0xb8;
	[tilespmem:$0x12000] =	vst v63  }
0x67: {  	s22 =	simm.s32 $0xD800  }
0x68: {  	[tilespmem:s22], [sflag:$0x3] =	stream.indirect_vreg.gather [hbm4b:s11+s3], $0x80, v2, vm0, $0xb8;
	[tilespmem:$0x12000] =	vst v63  }
0x69: {  	v2 =	vld.msk [tilespmem:$0x180], $0x3;
	_ =	sdelay $0x4  }
0x6a: {  	v3 =	vshll.u32 v2, $0x6  }
0x6b: {  	v2 =	vand.u32 $0x7, v2;
	v3 =	vand.u32 $0xFFFFFE00, v3  }
0x6c: {  	v2 =	vor.u32 v2, v3  }
0x6d: {  	v2 =	vperm.xlane v2, v0;
	_ =	sdelay $0x1  }
0x6e: {  	v2 =	vadd.s32 v1, v2;
	_ =	sdelay $0x4  }
0x6f: {  	[tilespmem:s19], [sflag:$0x4] =	stream.indirect_vreg.gather [hbm4b:s1+s3], $0x80, v2, vm0, $0xb8;
	[tilespmem:$0x12000] =	vst v63  }
0x70: {  	s24 =	simm.s32 $0xE800  }
0x71: {  	[tilespmem:s24], [sflag:$0x4] =	stream.indirect_vreg.gather [hbm4b:s5+s3], $0x80, v2, vm0, $0xb8;
	[tilespmem:$0x12000] =	vst v63  }
0x72: {  	s21 =	simm.s32 $0xF000  }
0x73: {  	[tilespmem:s21], [sflag:$0x4] =	stream.indirect_vreg.gather [hbm4b:s6+s3], $0x80, v2, vm0, $0xb8;
	[tilespmem:$0x12000] =	vst v63  }
0x74: {  	s22 =	simm.s32 $0xF800  }
0x75: {  	[tilespmem:s22], [sflag:$0x4] =	stream.indirect_vreg.gather [hbm4b:s7+s3], $0x80, v2, vm0, $0xb8;
	[tilespmem:$0x12000] =	vst v63  }
0x76: {  	s24 =	simm.s32 $0x10000  }
0x77: {  	[tilespmem:s24], [sflag:$0x4] =	stream.indirect_vreg.gather [hbm4b:s8+s3], $0x80, v2, vm0, $0xb8;
	[tilespmem:$0x12000] =	vst v63  }
0x78: {  	_ = 	snop  }
0x79: {  	[tilespmem:s25], [sflag:$0x4] =	stream.indirect_vreg.gather [hbm4b:s9+s3], $0x80, v2, vm0, $0xb8;
	[tilespmem:$0x12000] =	vst v63  }
0x7a: {  	_ = 	snop  }
0x7b: {  	[tilespmem:s26], [sflag:$0x4] =	stream.indirect_vreg.gather [hbm4b:s10+s3], $0x80, v2, vm0, $0xb8;
	[tilespmem:$0x12000] =	vst v63  }
0x7c: {  	s20 =	simm.s32 $0x380;
	s21 =	simm.s32 $0x0  }
0x7d: {  	[tilespmem:s28], [sflag:$0x4] =	stream.indirect_vreg.gather [hbm4b:s11+s3], $0x80, v2, vm0, $0xb8;
	[tilespmem:$0x12000] =	vst v63  }
.LBB2_2:
0x7e: {  	_ =	swait.ge [sflag:s29], $0x4000  }
0x7f: {  	[sflag:s29] =	ssyncset.done $0x0  }
0x80: {  	s22 =	sadd.s32 s21, s13;
	[sflag:s29] =	ssyncadd.s32 $0xFFFFC000  }
0x81: {  	[hbm4b:s22+s30] =	stream.strided.scatter [tilespmem:s15], [sflag:$0x5], $0x4000, s31, s30, $0x38;
	[tilespmem:$0x12000] =	vst v63  }
0x82: {  	_ =	swait.ge [sflag:s2], $0x4000  }
0x83: {  	[sflag:s2] =	ssyncset.done $0x0  }
0x84: {  	s24 =	sadd.s32 $0x20, s22;
	[sflag:s2] =	ssyncadd.s32 $0xFFFFC000  }
0x85: {  	[hbm4b:s24+s30] =	stream.strided.scatter [tilespmem:s23], [sflag:$0x6], $0x4000, s31, s30, $0x38;
	[tilespmem:$0x12000] =	vst v63  }
0x86: {  	_ =	swait.ge [sflag:s4], $0x4000  }
0x87: {  	[sflag:s4] =	ssyncset.done $0x0  }
0x88: {  	p0 =	seq.s32 s21, $0x1E000;
	s24 =	sadd.s32 $0x40, s22;
	[sflag:s4] =	ssyncadd.s32 $0xFFFFC000  }
0x89: {  	[hbm4b:s24+s30] =	stream.strided.scatter [tilespmem:s0], [sflag:$0x7], $0x4000, s31, s30, $0x38;
	[tilespmem:$0x12000] =	vst v63  }
.Ltmp2:
0x8a: {  	_ = 	snop;
	(pc) =	sbr.rel @p0 .LBB2_4-.Ltmp2, $4  }
0x8b: {  	_ =	swait.ge [sflag:s12], $0x4000  }
0x8c: {  	[sflag:s12] =	ssyncset.done $0x0  }
0x8d: {  	s22 =	sadd.s32 $0x60, s22;
	[sflag:s12] =	ssyncadd.s32 $0xFFFFC000  }
0x8e: {  	[hbm4b:s22+s30] =	stream.strided.scatter [tilespmem:s19], [sflag:$0x8], $0x4000, s31, s30, $0x38;
	[tilespmem:$0x12000] =	vst v63  }
0x8f: {  	_ =	swait.ge [sflag:s14], $0x4000  }
0x90: {  	[sflag:s14] =	ssyncset.done $0x0  }
0x91: {  	[sflag:s14] =	ssyncadd.s32 $0xFFFFC000  }
0x92: {  	v2 =	vld.msk [tilespmem:s20+$0xFFFFFE80], $0x3;
	_ =	sdelay $0x4  }
0x93: {  	v3 =	vshll.u32 v2, $0x6  }
0x94: {  	v2 =	vand.u32 $0x7, v2;
	v3 =	vand.u32 $0xFFFFFE00, v3  }
0x95: {  	v2 =	vor.u32 v2, v3  }
0x96: {  	v2 =	vperm.xlane v2, v0;
	_ =	sdelay $0x1  }
0x97: {  	v2 =	vadd.s32 v1, v2;
	_ =	sdelay $0x4  }
0x98: {  	[tilespmem:s15], [sflag:$0x1] =	stream.indirect_vreg.gather [hbm4b:s1+s3], $0x80, v2, vm0, $0xb8;
	[tilespmem:$0x12000] =	vst v63  }
0x99: {  	s22 =	simm.s32 $0x2800  }
0x9a: {  	[tilespmem:s22], [sflag:$0x1] =	stream.indirect_vreg.gather [hbm4b:s5+s3], $0x80, v2, vm0, $0xb8;
	[tilespmem:$0x12000] =	vst v63  }
0x9b: {  	s24 =	simm.s32 $0x3000  }
0x9c: {  	[tilespmem:s24], [sflag:$0x1] =	stream.indirect_vreg.gather [hbm4b:s6+s3], $0x80, v2, vm0, $0xb8;
	[tilespmem:$0x12000] =	vst v63  }
0x9d: {  	s24 =	simm.s32 $0x3800  }
0x9e: {  	[tilespmem:s24], [sflag:$0x1] =	stream.indirect_vreg.gather [hbm4b:s7+s3], $0x80, v2, vm0, $0xb8;
	[tilespmem:$0x12000] =	vst v63  }
0x9f: {  	s24 =	simm.s32 $0x4000  }
0xa0: {  	[tilespmem:s24], [sflag:$0x1] =	stream.indirect_vreg.gather [hbm4b:s8+s3], $0x80, v2, vm0, $0xb8;
	[tilespmem:$0x12000] =	vst v63  }
0xa1: {  	s24 =	simm.s32 $0x4800  }
0xa2: {  	[tilespmem:s24], [sflag:$0x1] =	stream.indirect_vreg.gather [hbm4b:s9+s3], $0x80, v2, vm0, $0xb8;
	[tilespmem:$0x12000] =	vst v63  }
0xa3: {  	s24 =	simm.s32 $0x5000  }
0xa4: {  	[tilespmem:s24], [sflag:$0x1] =	stream.indirect_vreg.gather [hbm4b:s10+s3], $0x80, v2, vm0, $0xb8;
	[tilespmem:$0x12000] =	vst v63  }
0xa5: {  	s24 =	simm.s32 $0x5800  }
0xa6: {  	[tilespmem:s24], [sflag:$0x1] =	stream.indirect_vreg.gather [hbm4b:s11+s3], $0x80, v2, vm0, $0xb8;
	[tilespmem:$0x12000] =	vst v63  }
0xa7: {  	_ =	swait.ge [sflag:s16], $0x4000  }
0xa8: {  	[sflag:s16] =	ssyncset.done $0x0  }
0xa9: {  	[sflag:s16] =	ssyncadd.s32 $0xFFFFC000  }
0xaa: {  	v2 =	vld.msk [tilespmem:s20+$0xFFFFFF00], $0x3;
	_ =	sdelay $0x4  }
0xab: {  	v3 =	vshll.u32 v2, $0x6  }
0xac: {  	v2 =	vand.u32 $0x7, v2;
	v3 =	vand.u32 $0xFFFFFE00, v3  }
0xad: {  	v2 =	vor.u32 v2, v3  }
0xae: {  	v2 =	vperm.xlane v2, v0;
	_ =	sdelay $0x1  }
0xaf: {  	v2 =	vadd.s32 v1, v2;
	_ =	sdelay $0x4  }
0xb0: {  	[tilespmem:s23], [sflag:$0x2] =	stream.indirect_vreg.gather [hbm4b:s1+s3], $0x80, v2, vm0, $0xb8;
	[tilespmem:$0x12000] =	vst v63  }
0xb1: {  	s24 =	simm.s32 $0x6800  }
0xb2: {  	[tilespmem:s24], [sflag:$0x2] =	stream.indirect_vreg.gather [hbm4b:s5+s3], $0x80, v2, vm0, $0xb8;
	[tilespmem:$0x12000] =	vst v63  }
0xb3: {  	s24 =	simm.s32 $0x7000  }
0xb4: {  	[tilespmem:s24], [sflag:$0x2] =	stream.indirect_vreg.gather [hbm4b:s6+s3], $0x80, v2, vm0, $0xb8;
	[tilespmem:$0x12000] =	vst v63  }
0xb5: {  	s24 =	simm.s32 $0x7800  }
0xb6: {  	[tilespmem:s24], [sflag:$0x2] =	stream.indirect_vreg.gather [hbm4b:s7+s3], $0x80, v2, vm0, $0xb8;
	[tilespmem:$0x12000] =	vst v63  }
0xb7: {  	s24 =	simm.s32 $0x8000  }
0xb8: {  	[tilespmem:s24], [sflag:$0x2] =	stream.indirect_vreg.gather [hbm4b:s8+s3], $0x80, v2, vm0, $0xb8;
	[tilespmem:$0x12000] =	vst v63  }
0xb9: {  	s24 =	simm.s32 $0x8800  }
0xba: {  	[tilespmem:s24], [sflag:$0x2] =	stream.indirect_vreg.gather [hbm4b:s9+s3], $0x80, v2, vm0, $0xb8;
	[tilespmem:$0x12000] =	vst v63  }
0xbb: {  	s24 =	simm.s32 $0x9000  }
0xbc: {  	[tilespmem:s24], [sflag:$0x2] =	stream.indirect_vreg.gather [hbm4b:s10+s3], $0x80, v2, vm0, $0xb8;
	[tilespmem:$0x12000] =	vst v63  }
0xbd: {  	s24 =	simm.s32 $0x9800  }
0xbe: {  	[tilespmem:s24], [sflag:$0x2] =	stream.indirect_vreg.gather [hbm4b:s11+s3], $0x80, v2, vm0, $0xb8;
	[tilespmem:$0x12000] =	vst v63  }
0xbf: {  	_ =	swait.ge [sflag:s17], $0x4000  }
0xc0: {  	[sflag:s17] =	ssyncset.done $0x0  }
0xc1: {  	[sflag:s17] =	ssyncadd.s32 $0xFFFFC000  }
0xc2: {  	v2 =	vld.msk [tilespmem:s20+$0xFFFFFF80], $0x3;
	_ =	sdelay $0x4  }
0xc3: {  	v3 =	vshll.u32 v2, $0x6  }
0xc4: {  	v2 =	vand.u32 $0x7, v2;
	v3 =	vand.u32 $0xFFFFFE00, v3  }
0xc5: {  	v2 =	vor.u32 v2, v3  }
0xc6: {  	v2 =	vperm.xlane v2, v0;
	_ =	sdelay $0x1  }
0xc7: {  	v2 =	vadd.s32 v1, v2;
	_ =	sdelay $0x4  }
0xc8: {  	[tilespmem:s0], [sflag:$0x3] =	stream.indirect_vreg.gather [hbm4b:s1+s3], $0x80, v2, vm0, $0xb8;
	[tilespmem:$0x12000] =	vst v63  }
0xc9: {  	s24 =	simm.s32 $0xA800  }
0xca: {  	[tilespmem:s24], [sflag:$0x3] =	stream.indirect_vreg.gather [hbm4b:s5+s3], $0x80, v2, vm0, $0xb8;
	[tilespmem:$0x12000] =	vst v63  }
0xcb: {  	s24 =	simm.s32 $0xB000  }
0xcc: {  	[tilespmem:s24], [sflag:$0x3] =	stream.indirect_vreg.gather [hbm4b:s6+s3], $0x80, v2, vm0, $0xb8;
	[tilespmem:$0x12000] =	vst v63  }
0xcd: {  	s24 =	simm.s32 $0xB800  }
0xce: {  	[tilespmem:s24], [sflag:$0x3] =	stream.indirect_vreg.gather [hbm4b:s7+s3], $0x80, v2, vm0, $0xb8;
	[tilespmem:$0x12000] =	vst v63  }
0xcf: {  	s24 =	simm.s32 $0xC000  }
0xd0: {  	[tilespmem:s24], [sflag:$0x3] =	stream.indirect_vreg.gather [hbm4b:s8+s3], $0x80, v2, vm0, $0xb8;
	[tilespmem:$0x12000] =	vst v63  }
0xd1: {  	s24 =	simm.s32 $0xC800  }
0xd2: {  	[tilespmem:s24], [sflag:$0x3] =	stream.indirect_vreg.gather [hbm4b:s9+s3], $0x80, v2, vm0, $0xb8;
	[tilespmem:$0x12000] =	vst v63  }
0xd3: {  	s24 =	simm.s32 $0xD000  }
0xd4: {  	[tilespmem:s24], [sflag:$0x3] =	stream.indirect_vreg.gather [hbm4b:s10+s3], $0x80, v2, vm0, $0xb8;
	[tilespmem:$0x12000] =	vst v63  }
0xd5: {  	s24 =	simm.s32 $0xD800  }
0xd6: {  	[tilespmem:s24], [sflag:$0x3] =	stream.indirect_vreg.gather [hbm4b:s11+s3], $0x80, v2, vm0, $0xb8;
	[tilespmem:$0x12000] =	vst v63  }
0xd7: {  	_ =	swait.ge [sflag:s18], $0x4000  }
0xd8: {  	[sflag:s18] =	ssyncset.done $0x0  }
0xd9: {  	[sflag:s18] =	ssyncadd.s32 $0xFFFFC000  }
0xda: {  	v2 =	vld.msk [tilespmem:s20+$0x0], $0x3;
	_ =	sdelay $0x4  }
0xdb: {  	v3 =	vshll.u32 v2, $0x6  }
0xdc: {  	v2 =	vand.u32 $0x7, v2;
	v3 =	vand.u32 $0xFFFFFE00, v3  }
0xdd: {  	v2 =	vor.u32 v2, v3  }
0xde: {  	v2 =	vperm.xlane v2, v0;
	_ =	sdelay $0x1  }
0xdf: {  	v2 =	vadd.s32 v1, v2;
	_ =	sdelay $0x4  }
0xe0: {  	[tilespmem:s19], [sflag:$0x4] =	stream.indirect_vreg.gather [hbm4b:s1+s3], $0x80, v2, vm0, $0xb8;
	[tilespmem:$0x12000] =	vst v63  }
0xe1: {  	s24 =	simm.s32 $0xE800  }
0xe2: {  	[tilespmem:s24], [sflag:$0x4] =	stream.indirect_vreg.gather [hbm4b:s5+s3], $0x80, v2, vm0, $0xb8;
	[tilespmem:$0x12000] =	vst v63  }
0xe3: {  	s24 =	simm.s32 $0xF000  }
0xe4: {  	[tilespmem:s24], [sflag:$0x4] =	stream.indirect_vreg.gather [hbm4b:s6+s3], $0x80, v2, vm0, $0xb8;
	[tilespmem:$0x12000] =	vst v63  }
0xe5: {  	s24 =	simm.s32 $0xF800  }
0xe6: {  	[tilespmem:s24], [sflag:$0x4] =	stream.indirect_vreg.gather [hbm4b:s7+s3], $0x80, v2, vm0, $0xb8;
	[tilespmem:$0x12000] =	vst v63  }
0xe7: {  	s24 =	simm.s32 $0x10000  }
0xe8: {  	[tilespmem:s24], [sflag:$0x4] =	stream.indirect_vreg.gather [hbm4b:s8+s3], $0x80, v2, vm0, $0xb8;
	[tilespmem:$0x12000] =	vst v63  }
0xe9: {  	_ = 	snop  }
0xea: {  	[tilespmem:s25], [sflag:$0x4] =	stream.indirect_vreg.gather [hbm4b:s9+s3], $0x80, v2, vm0, $0xb8;
	[tilespmem:$0x12000] =	vst v63  }
.Ltmp3:
0xeb: {  	_ = 	snop;
	(pc) =	sbr.rel .LBB2_2-.Ltmp3, $4  }
0xec: {  	_ = 	snop  }
0xed: {  	[tilespmem:s26], [sflag:$0x4] =	stream.indirect_vreg.gather [hbm4b:s10+s3], $0x80, v2, vm0, $0xb8;
	[tilespmem:$0x12000] =	vst v63  }
0xee: {  	s21 =	sadd.s32 $0x2000, s21;
	s20 =	sadd.s32 $0x200, s20  }
0xef: {  	[tilespmem:s28], [sflag:$0x4] =	stream.indirect_vreg.gather [hbm4b:s11+s3], $0x80, v2, vm0, $0xb8;
	[tilespmem:$0x12000] =	vst v63  }
.LBB2_5:
0xf0: {  	_ =	sfence.sel $0x180000  }
0xf1: {  	[bflag:$0x0] =	sbarrier.arrive $0xFFFF  }
0xf2: {  	_ =	strace $0x90000047  }
0xf3: {  	s0 =	stileid.u32;
	[bflag:$0x2] =	sbarrier.arrive $0xFFFF  }
0xf4: {  	p0 =	sne.s32 s0, $0x0;
	s0 =	rddreg [dreg:$0x3]  }
0xf5: {  	s0 =	sadd.s32 @!p0 $0x100000, s0  }
0xf6: {  	[sflag:s0] =	ssyncadd.tile.s32 @!p0 $0x1;
	_ =	shalt  }
.Lfunc_end2:
_tile_overlayer_lowered:
.L_overlay_start_2:
0xf7: {  	(tag) =	ssettag $0x2  }
0xf8: {  	s0 =	rddreg [dreg:$0x0];
	s2 =	stileid.u32  }
0xf9: {  	s1 =	rddreg [dreg:$0x1];
	p0 =	sne.s32 s2, $0x0  }
0xfa: {  	s3 =	rddreg [dreg:$0x2];
	[bflag:$0x3] =	sbarrier.arrive $0xFFFF;
	s2 =	simm.s32 @!p0 $0x1C09  }
0xfb: {  	[timem:s3], [sflag:s2] =	dma.local @!p0 [hbm:s0], s1  }
0xfc: {  	s0 =	simm.s32 @!p0 $0x9  }
0xfd: {  	_ =	swait.ge @!p0 [sflag:s0], s1  }
0xfe: {  	s1 =	ssub.s32 @!p0 $0x0, s1;
	[sflag:s0] =	ssyncset.done @!p0 $0x0  }
0xff: {  	[sflag:s0] =	ssyncadd.s32 @!p0 s1  }
0x100: {  	[bflag:$0x3] =	sbarrier.arrive $0xFFFF  }
0x101: {  	_ =	shalt  }

</sc_bundles>
